<compile_context>
chip_gen: v7x
topology: tpu7x:2x2x1
jax: 0.10.2.dev20260603
libtpu: 0.0.44.dev20260713+nightly
codegen_flags: <defaults>
</compile_context>

<pallas_src>
import functools

import jax
import jax.numpy as jnp
from jax import lax
from jax.experimental import pallas as pl
from jax.experimental.pallas import tpu as pltpu
from jax.experimental.pallas import tpu_sc as plsc

_N = 1000000
_B = 16384
_DIH_EPS = 0.076
_GNN_EPS = 6.38
_FS_EPS = 3.0
_LR = 0.001

_NW = 32
_PB = _B // _NW


_CB = 131072


def _tc_copy_body(s0, s1, s2, o0, o1, o2):
  o0[...] = s0[...]
  o1[...] = s1[...]
  o2[...] = s2[...]


_tc_copy = pl.pallas_call(
    _tc_copy_body,
    grid=((_N + _CB - 1) // _CB,),
    out_shape=[jax.ShapeDtypeStruct((_N,), jnp.float32)] * 3,
    in_specs=[pl.BlockSpec((_CB,), lambda i: (i,))] * 3,
    out_specs=[pl.BlockSpec((_CB,), lambda i: (i,))] * 3,
)


def _sc_body(idx_hbm, dih_hbm, gnn_hbm, fs_hbm, lamd_hbm, lamg_hbm, lamf_hbm,
             od_ref, og_ref, of_ref, part_hbm,
             idx_v, loss_v, lam0, lam1, lam2, new0, new1, new2, pacc, sem_g):
  cid = lax.axis_index("c")
  sid = lax.axis_index("s")
  wid = cid * 16 + sid
  base = pl.multiple_of(wid * _PB, 8)
  lams = (lam0, lam1, lam2)
  news = (new0, new1, new2)
  srcs = (lamd_hbm, lamg_hbm, lamf_hbm)
  outs = (od_ref, og_ref, of_ref)
  bufs = ((dih_hbm, _DIH_EPS), (gnn_hbm, _GNN_EPS), (fs_hbm, _FS_EPS))

  pltpu.sync_copy(idx_hbm.at[pl.ds(base, _PB)], idx_v)
  gth = [pltpu.async_copy(src.at[idx_v], lam_v, sem_g)
         for src, lam_v in zip(srcs, lams)]
  for cp in gth:
    cp.wait()

  for b, (loss_hbm, eps) in enumerate(bufs):
    lam_v, new_v = lams[b], news[b]
    pltpu.sync_copy(loss_hbm.at[pl.ds(base, _PB)], loss_v)

    def step(k, acc):
      o = pl.multiple_of(k * 16, 16)
      lam = lam_v[pl.ds(o, 16)]
      viol = loss_v[pl.ds(o, 16)] - eps
      new_v[pl.ds(o, 16)] = jnp.maximum(lam + _LR * viol, 0.0)
      return acc + lam * viol

    acc = lax.fori_loop(0, _PB // 16, step, jnp.zeros((16,), jnp.float32))
    pacc[b, pl.ds(0, 16)] = acc

  scs = [pltpu.async_copy(new_v, out.at[idx_v], sem_g)
         for out, new_v in zip(outs, news)]
  for cp in scs:
    cp.wait()

  pltpu.sync_copy(pacc, part_hbm.at[cid, sid])


_sc_call = functools.partial(
    pl.kernel,
    out_type=jax.ShapeDtypeStruct((2, 16, 3, 16), jnp.float32),
    mesh=plsc.VectorSubcoreMesh(core_axis_name="c", subcore_axis_name="s"),
    scratch_types=[
        pltpu.VMEM((_PB,), jnp.int32),
        pltpu.VMEM((_PB,), jnp.float32),
        pltpu.VMEM((_PB,), jnp.float32),
        pltpu.VMEM((_PB,), jnp.float32),
        pltpu.VMEM((_PB,), jnp.float32),
        pltpu.VMEM((_PB,), jnp.float32),
        pltpu.VMEM((_PB,), jnp.float32),
        pltpu.VMEM((_PB,), jnp.float32),
        pltpu.VMEM((3, 16), jnp.float32),
        pltpu.SemaphoreType.DMA,
    ],
)(_sc_body)


def kernel(primary_loss, dihedral_losses, gnn_losses, foldseek_losses, indices,
           lam_dihedral, lam_gnn, lam_foldseek):
  cp_d, cp_g, cp_f = _tc_copy(lam_dihedral, lam_gnn, lam_foldseek)
  r_d, r_g, r_f = jax.new_ref(cp_d), jax.new_ref(cp_g), jax.new_ref(cp_f)
  part = _sc_call(
      indices.astype(jnp.int32), dihedral_losses, gnn_losses, foldseek_losses,
      lam_dihedral, lam_gnn, lam_foldseek, r_d, r_g, r_f)
  lagrangian = primary_loss + jnp.sum(part) / jnp.float32(_B)
  return lagrangian, r_d[...], r_g[...], r_f[...]

# --- scband reference (transcript-rebuilt; emitter-appended) ---
"""Pipeline reference for scband-multi-constraint-lagrangian-30270929502888 (READ-ONLY COPY).

The authoritative reference and input builder live on the scoring server;
editing this copy changes nothing except your own understanding.
"""

import jax, jax.numpy as jnp
import numpy as np

DATASET_SIZE = 1000000
BATCH = 16384
DIHEDRAL_EPS = 0.076
GNN_EPS = 6.38
FOLDSEEK_EPS = 3.0
DUAL_LR = 0.001


def setup_inputs(seed: int = 0) -> dict:
    key = jax.random.key(seed)
    k1, k2, k3, k4, k5, k6, k7, k8 = jax.random.split(key, 8)
    primary_loss = jax.random.uniform(k1, (), dtype=jnp.float32)
    dihedral_losses = jax.random.uniform(k2, (BATCH,), dtype=jnp.float32)
    gnn_losses = jax.random.uniform(k3, (BATCH,), dtype=jnp.float32)
    foldseek_losses = jax.random.uniform(k4, (BATCH,), dtype=jnp.float32)
    indices = jax.random.randint(k5, (BATCH,), 0, DATASET_SIZE, dtype=jnp.int64 if jax.config.jax_enable_x64 else jnp.int32)
    # Lambda buffers are zeros in the module __init__; use small random positives
    # so the gather/scatter path is numerically nontrivial for benchmarking.
    lam_dihedral = jax.random.uniform(k6, (DATASET_SIZE,), dtype=jnp.float32) * 0.1
    lam_gnn = jax.random.uniform(k7, (DATASET_SIZE,), dtype=jnp.float32) * 0.1
    lam_foldseek = jax.random.uniform(k8, (DATASET_SIZE,), dtype=jnp.float32) * 0.1
    return {
        "primary_loss": primary_loss,
        "dihedral_losses": dihedral_losses,
        "gnn_losses": gnn_losses,
        "foldseek_losses": foldseek_losses,
        "indices": indices,
        "lam_dihedral": lam_dihedral,
        "lam_gnn": lam_gnn,
        "lam_foldseek": lam_foldseek,
    }


def reference(primary_loss, dihedral_losses, gnn_losses, foldseek_losses, indices,
              lam_dihedral, lam_gnn, lam_foldseek):
    # ---- compute_lagrangian ----
    lam_d_b = jax.lax.stop_gradient(jnp.take(lam_dihedral, indices, axis=0))
    lam_g_b = jax.lax.stop_gradient(jnp.take(lam_gnn, indices, axis=0))
    lam_f_b = jax.lax.stop_gradient(jnp.take(lam_foldseek, indices, axis=0))

    viol_d = dihedral_losses - DIHEDRAL_EPS
    viol_g = gnn_losses - GNN_EPS
    viol_f = foldseek_losses - FOLDSEEK_EPS

    avg_d = jnp.mean(lam_d_b * viol_d)
    avg_g = jnp.mean(lam_g_b * viol_g)
    avg_f = jnp.mean(lam_f_b * viol_f)

    lagrangian = primary_loss + (avg_d + avg_g + avg_f)

    # ---- update_dual_variables (no_grad; projected gradient ascent, scatter-overwrite) ----
    viol_d_ng = jax.lax.stop_gradient(viol_d)
    viol_g_ng = jax.lax.stop_gradient(viol_g)
    viol_f_ng = jax.lax.stop_gradient(viol_f)

    new_d = jnp.clip(jnp.take(lam_dihedral, indices, axis=0) + DUAL_LR * viol_d_ng, 0.0, None)
    new_g = jnp.clip(jnp.take(lam_gnn, indices, axis=0) + DUAL_LR * viol_g_ng, 0.0, None)
    new_f = jnp.clip(jnp.take(lam_foldseek, indices, axis=0) + DUAL_LR * viol_f_ng, 0.0, None)

    upd_lam_d = lam_dihedral.at[indices].set(new_d)
    upd_lam_g = lam_gnn.at[indices].set(new_g)
    upd_lam_f = lam_foldseek.at[indices].set(new_f)

    return lagrangian, upd_lam_d, upd_lam_g, upd_lam_f

if __name__ == "__main__":
    import jax
    _d = setup_inputs()
    print(jax.jit(kernel)(*tuple(_d.values())))

</pallas_src>

<mosaic_0001>
#map = affine_map<(d0, d1) -> (0)>
#map1 = affine_map<(d0, d1) -> (0, 0, 0, 0)>
module attributes {stable_mosaic.version = 14 : i64} {
  func.func @new_body(%arg0: i32, %arg1: i32, %arg2: memref<16384xi32, #tpu.memory_space<hbm>>, %arg3: memref<16384xf32, #tpu.memory_space<hbm>>, %arg4: memref<16384xf32, #tpu.memory_space<hbm>>, %arg5: memref<16384xf32, #tpu.memory_space<hbm>>, %arg6: memref<1000000xf32, #tpu.memory_space<hbm>>, %arg7: memref<1000000xf32, #tpu.memory_space<hbm>>, %arg8: memref<1000000xf32, #tpu.memory_space<hbm>>, %arg9: memref<1000000xf32, #tpu.memory_space<hbm>>, %arg10: memref<1000000xf32, #tpu.memory_space<hbm>>, %arg11: memref<1000000xf32, #tpu.memory_space<hbm>>, %arg12: memref<2x16x3x16xf32, #tpu.memory_space<hbm>>, %arg13: memref<1000000xf32, #tpu.memory_space<hbm>>, %arg14: memref<1000000xf32, #tpu.memory_space<hbm>>, %arg15: memref<1000000xf32, #tpu.memory_space<hbm>>, %arg16: memref<512xi32, #tpu.memory_space<vmem>>, %arg17: memref<512xf32, #tpu.memory_space<vmem>>, %arg18: memref<512xf32, #tpu.memory_space<vmem>>, %arg19: memref<512xf32, #tpu.memory_space<vmem>>, %arg20: memref<512xf32, #tpu.memory_space<vmem>>, %arg21: memref<512xf32, #tpu.memory_space<vmem>>, %arg22: memref<512xf32, #tpu.memory_space<vmem>>, %arg23: memref<512xf32, #tpu.memory_space<vmem>>, %arg24: memref<3x16xf32, #tpu.memory_space<vmem>>, %arg25: memref<!tpu.dma_semaphore, #tpu.memory_space<semaphore_mem>>) attributes {dimension_semantics = [#tpu.dimension_semantics<core_parallel>, #tpu.dimension_semantics<subcore_parallel>], iteration_bounds = array<i64: 2, 16>, scalar_prefetch = 0 : i64, scratch_operands = 10 : i64, tpu.core_type = #tpu.core_type<sc_vector_subcore>, window_params = [{transform_indices = #map}, {transform_indices = #map}, {transform_indices = #map}, {transform_indices = #map}, {transform_indices = #map}, {transform_indices = #map}, {transform_indices = #map}, {transform_indices = #map}, {transform_indices = #map}, {transform_indices = #map}, {transform_indices = #map1}, {transform_indices = #map}, {transform_indices = #map}, {transform_indices = #map}]} {
    %mul3A = arith.constant 16 : i32
    %mul3A_0 = arith.muli %arg0, %mul3A : i32
    %add3A = arith.addi %mul3A_0, %arg1 : i32
    %mul3A_1 = arith.constant 512 : i32
    %mul3A_2 = arith.muli %add3A, %mul3A_1 : i32
    %multiple_of3A = tpu.assume_multiple %mul3A_2, 8 : i32
    "tpu.region"() ({
      %run_scoped3A = tpu.sem_alloc : memref<!tpu.dma_semaphore, #tpu.memory_space<semaphore_mem>>
      %dma_start3A_64 = tpu.memref_slice %arg2[%multiple_of3A] : memref<16384xi32, #tpu.memory_space<hbm>> -> memref<512xi32, #tpu.memory_space<hbm>>
      %dma_start3A_65 = tpu.memref_slice %arg2[%multiple_of3A] : memref<16384xi32, #tpu.memory_space<hbm>> -> memref<512xi32, #tpu.memory_space<hbm>>
      tpu.enqueue_dma source(%dma_start3A_65 : memref<512xi32, #tpu.memory_space<hbm>>) target(%arg16 : memref<512xi32, #tpu.memory_space<vmem>>) target_semaphore(%run_scoped3A : memref<!tpu.dma_semaphore, #tpu.memory_space<semaphore_mem>>)
      %dma_wait3A_66 = tpu.memref_slice %arg2[%multiple_of3A] : memref<16384xi32, #tpu.memory_space<hbm>> -> memref<512xi32, #tpu.memory_space<hbm>>
      %dma_wait3A_67 = tpu.memref_slice %arg2[%multiple_of3A] : memref<16384xi32, #tpu.memory_space<hbm>> -> memref<512xi32, #tpu.memory_space<hbm>>
      tpu.wait_dma2 semaphore(%run_scoped3A : memref<!tpu.dma_semaphore, #tpu.memory_space<semaphore_mem>>) src(%dma_wait3A_67 : memref<512xi32, #tpu.memory_space<hbm>>) dst(%arg16 : memref<512xi32, #tpu.memory_space<vmem>>)
      tpu.yield
    }) : () -> ()
    %dma_start3A = arith.constant 0 : i32
    %dma_start3A_3 = tpu.memref_slice %arg6[%dma_start3A] : memref<1000000xf32, #tpu.memory_space<hbm>> -> memref<1000000xf32, #tpu.memory_space<hbm>>
    tpu.enqueue_indirect_dma source(%dma_start3A_3 : memref<1000000xf32, #tpu.memory_space<hbm>>) target(%arg18 : memref<512xf32, #tpu.memory_space<vmem>>) offsets(%arg16 : memref<512xi32, #tpu.memory_space<vmem>>) semaphore(%arg25 : memref<!tpu.dma_semaphore, #tpu.memory_space<semaphore_mem>>)
    %dma_start3A_4 = arith.constant 0 : i32
    %dma_start3A_5 = tpu.memref_slice %arg7[%dma_start3A_4] : memref<1000000xf32, #tpu.memory_space<hbm>> -> memref<1000000xf32, #tpu.memory_space<hbm>>
    tpu.enqueue_indirect_dma source(%dma_start3A_5 : memref<1000000xf32, #tpu.memory_space<hbm>>) target(%arg19 : memref<512xf32, #tpu.memory_space<vmem>>) offsets(%arg16 : memref<512xi32, #tpu.memory_space<vmem>>) semaphore(%arg25 : memref<!tpu.dma_semaphore, #tpu.memory_space<semaphore_mem>>)
    %dma_start3A_6 = arith.constant 0 : i32
    %dma_start3A_7 = tpu.memref_slice %arg8[%dma_start3A_6] : memref<1000000xf32, #tpu.memory_space<hbm>> -> memref<1000000xf32, #tpu.memory_space<hbm>>
    tpu.enqueue_indirect_dma source(%dma_start3A_7 : memref<1000000xf32, #tpu.memory_space<hbm>>) target(%arg20 : memref<512xf32, #tpu.memory_space<vmem>>) offsets(%arg16 : memref<512xi32, #tpu.memory_space<vmem>>) semaphore(%arg25 : memref<!tpu.dma_semaphore, #tpu.memory_space<semaphore_mem>>)
    %dma_wait3A = arith.constant 0 : i32
    %dma_wait3A_8 = tpu.memref_slice %arg6[%dma_wait3A] : memref<1000000xf32, #tpu.memory_space<hbm>> -> memref<1000000xf32, #tpu.memory_space<hbm>>
    tpu.wait_indirect_dma semaphore(%arg25 : memref<!tpu.dma_semaphore, #tpu.memory_space<semaphore_mem>>) src(%dma_wait3A_8 : memref<1000000xf32, #tpu.memory_space<hbm>>) dst(%arg18 : memref<512xf32, #tpu.memory_space<vmem>>)
    %dma_wait3A_9 = arith.constant 0 : i32
    %dma_wait3A_10 = tpu.memref_slice %arg7[%dma_wait3A_9] : memref<1000000xf32, #tpu.memory_space<hbm>> -> memref<1000000xf32, #tpu.memory_space<hbm>>
    tpu.wait_indirect_dma semaphore(%arg25 : memref<!tpu.dma_semaphore, #tpu.memory_space<semaphore_mem>>) src(%dma_wait3A_10 : memref<1000000xf32, #tpu.memory_space<hbm>>) dst(%arg19 : memref<512xf32, #tpu.memory_space<vmem>>)
    %dma_wait3A_11 = arith.constant 0 : i32
    %dma_wait3A_12 = tpu.memref_slice %arg8[%dma_wait3A_11] : memref<1000000xf32, #tpu.memory_space<hbm>> -> memref<1000000xf32, #tpu.memory_space<hbm>>
    tpu.wait_indirect_dma semaphore(%arg25 : memref<!tpu.dma_semaphore, #tpu.memory_space<semaphore_mem>>) src(%dma_wait3A_12 : memref<1000000xf32, #tpu.memory_space<hbm>>) dst(%arg20 : memref<512xf32, #tpu.memory_space<vmem>>)
    "tpu.region"() ({
      %run_scoped3A = tpu.sem_alloc : memref<!tpu.dma_semaphore, #tpu.memory_space<semaphore_mem>>
      %dma_start3A_64 = tpu.memref_slice %arg3[%multiple_of3A] : memref<16384xf32, #tpu.memory_space<hbm>> -> memref<512xf32, #tpu.memory_space<hbm>>
      %dma_start3A_65 = tpu.memref_slice %arg3[%multiple_of3A] : memref<16384xf32, #tpu.memory_space<hbm>> -> memref<512xf32, #tpu.memory_space<hbm>>
      tpu.enqueue_dma source(%dma_start3A_65 : memref<512xf32, #tpu.memory_space<hbm>>) target(%arg17 : memref<512xf32, #tpu.memory_space<vmem>>) target_semaphore(%run_scoped3A : memref<!tpu.dma_semaphore, #tpu.memory_space<semaphore_mem>>)
      %dma_wait3A_66 = tpu.memref_slice %arg3[%multiple_of3A] : memref<16384xf32, #tpu.memory_space<hbm>> -> memref<512xf32, #tpu.memory_space<hbm>>
      %dma_wait3A_67 = tpu.memref_slice %arg3[%multiple_of3A] : memref<16384xf32, #tpu.memory_space<hbm>> -> memref<512xf32, #tpu.memory_space<hbm>>
      tpu.wait_dma2 semaphore(%run_scoped3A : memref<!tpu.dma_semaphore, #tpu.memory_space<semaphore_mem>>) src(%dma_wait3A_67 : memref<512xf32, #tpu.memory_space<hbm>>) dst(%arg17 : memref<512xf32, #tpu.memory_space<vmem>>)
      tpu.yield
    }) : () -> ()
    %broadcast_in_dim3A = arith.constant 0.000000e+00 : f32
    %broadcast_in_dim3A_13 = vector.broadcast %broadcast_in_dim3A : f32 to vector<16xf32>
    %scan3A = arith.constant 0 : i32
    %scan3A_14 = arith.constant 32 : i32
    %scan3A_15 = arith.addi %scan3A, %scan3A_14 : i32
    %scan3A_16 = arith.constant 1 : i32
    %scan3A_17 = scf.for %scan3A_64 = %scan3A to %scan3A_15 step %scan3A_16 iter_args(%scan3A_65 = %broadcast_in_dim3A_13) -> (vector<16xf32>)  : i32 {
      %mul3A_66 = arith.constant 16 : i32
      %mul3A_67 = arith.muli %scan3A_64, %mul3A_66 : i32
      %multiple_of3A_68 = tpu.assume_multiple %mul3A_67, 16 : i32
      %get3A = arith.index_cast %multiple_of3A_68 : i32 to index
      %get3A_69 = tpu.vector_load %arg18[%get3A] {strides = array<i32>} : memref<512xf32, #tpu.memory_space<vmem>>, vector<16xf32>,
      %get3A_70 = vector.shape_cast %get3A_69 : vector<16xf32> to vector<16xf32>
      %get3A_71 = arith.index_cast %multiple_of3A_68 : i32 to index
      %get3A_72 = tpu.vector_load %arg17[%get3A_71] {strides = array<i32>} : memref<512xf32, #tpu.memory_space<vmem>>, vector<16xf32>,
      %get3A_73 = vector.shape_cast %get3A_72 : vector<16xf32> to vector<16xf32>
      %sub3A = arith.constant 7.600000e-02 : f32
      %sub3A_74 = vector.broadcast %sub3A : f32 to vector<16xf32>
      %sub3A_75 = arith.subf %get3A_73, %sub3A_74 : vector<16xf32>
      %mul3A_76 = arith.constant 1.000000e-03 : f32
      %mul3A_77 = vector.broadcast %mul3A_76 : f32 to vector<16xf32>
      %mul3A_78 = arith.mulf %mul3A_77, %sub3A_75 : vector<16xf32>
      %add3A_79 = arith.addf %get3A_70, %mul3A_78 : vector<16xf32>
      %max3A = arith.constant 0.000000e+00 : f32
      %max3A_80 = vector.broadcast %max3A : f32 to vector<16xf32>
      %max3A_81 = arith.maximumf %add3A_79, %max3A_80 : vector<16xf32>
      %swap3A_82 = arith.index_cast %multiple_of3A_68 : i32 to index
      %swap3A_83 = tpu.vector_load %arg21[%swap3A_82] {strides = array<i32>} : memref<512xf32, #tpu.memory_space<vmem>>, vector<16xf32>,
      %swap3A_84 = vector.shape_cast %swap3A_83 : vector<16xf32> to vector<16xf32>
      %swap3A_85 = vector.shape_cast %max3A_81 : vector<16xf32> to vector<16xf32>
      tpu.vector_store %arg21[%swap3A_82], %swap3A_85 {strides = array<i32>} : memref<512xf32, #tpu.memory_space<vmem>>, vector<16xf32>,
      %mul3A_86 = arith.mulf %get3A_70, %sub3A_75 : vector<16xf32>
      %add3A_87 = arith.addf %scan3A_65, %mul3A_86 : vector<16xf32>
      scf.yield %add3A_87 : vector<16xf32>
    }
    %scan3A_18 = arith.constant 32 : i32
    %swap3A = arith.constant 0 : i32
    %swap3A_19 = arith.index_cast %swap3A : i32 to index
    %swap3A_20 = arith.constant 0 : index
    %swap3A_21 = tpu.vector_load %arg24[%swap3A_19, %swap3A_20] {strides = array<i32>} : memref<3x16xf32, #tpu.memory_space<vmem>>, vector<1x16xf32>,
    %swap3A_22 = vector.shape_cast %swap3A_21 : vector<1x16xf32> to vector<16xf32>
    %swap3A_23 = vector.shape_cast %scan3A_17 : vector<16xf32> to vector<1x16xf32>
    tpu.vector_store %arg24[%swap3A_19, %swap3A_20], %swap3A_23 {strides = array<i32>} : memref<3x16xf32, #tpu.memory_space<vmem>>, vector<1x16xf32>,
    "tpu.region"() ({
      %run_scoped3A = tpu.sem_alloc : memref<!tpu.dma_semaphore, #tpu.memory_space<semaphore_mem>>
      %dma_start3A_64 = tpu.memref_slice %arg4[%multiple_of3A] : memref<16384xf32, #tpu.memory_space<hbm>> -> memref<512xf32, #tpu.memory_space<hbm>>
      %dma_start3A_65 = tpu.memref_slice %arg4[%multiple_of3A] : memref<16384xf32, #tpu.memory_space<hbm>> -> memref<512xf32, #tpu.memory_space<hbm>>
      tpu.enqueue_dma source(%dma_start3A_65 : memref<512xf32, #tpu.memory_space<hbm>>) target(%arg17 : memref<512xf32, #tpu.memory_space<vmem>>) target_semaphore(%run_scoped3A : memref<!tpu.dma_semaphore, #tpu.memory_space<semaphore_mem>>)
      %dma_wait3A_66 = tpu.memref_slice %arg4[%multiple_of3A] : memref<16384xf32, #tpu.memory_space<hbm>> -> memref<512xf32, #tpu.memory_space<hbm>>
      %dma_wait3A_67 = tpu.memref_slice %arg4[%multiple_of3A] : memref<16384xf32, #tpu.memory_space<hbm>> -> memref<512xf32, #tpu.memory_space<hbm>>
      tpu.wait_dma2 semaphore(%run_scoped3A : memref<!tpu.dma_semaphore, #tpu.memory_space<semaphore_mem>>) src(%dma_wait3A_67 : memref<512xf32, #tpu.memory_space<hbm>>) dst(%arg17 : memref<512xf32, #tpu.memory_space<vmem>>)
      tpu.yield
    }) : () -> ()
    %broadcast_in_dim3A_24 = arith.constant 0.000000e+00 : f32
    %broadcast_in_dim3A_25 = vector.broadcast %broadcast_in_dim3A_24 : f32 to vector<16xf32>
    %scan3A_26 = arith.constant 0 : i32
    %scan3A_27 = arith.constant 32 : i32
    %scan3A_28 = arith.addi %scan3A_26, %scan3A_27 : i32
    %scan3A_29 = arith.constant 1 : i32
    %scan3A_30 = scf.for %scan3A_64 = %scan3A_26 to %scan3A_28 step %scan3A_29 iter_args(%scan3A_65 = %broadcast_in_dim3A_25) -> (vector<16xf32>)  : i32 {
      %mul3A_66 = arith.constant 16 : i32
      %mul3A_67 = arith.muli %scan3A_64, %mul3A_66 : i32
      %multiple_of3A_68 = tpu.assume_multiple %mul3A_67, 16 : i32
      %get3A = arith.index_cast %multiple_of3A_68 : i32 to index
      %get3A_69 = tpu.vector_load %arg19[%get3A] {strides = array<i32>} : memref<512xf32, #tpu.memory_space<vmem>>, vector<16xf32>,
      %get3A_70 = vector.shape_cast %get3A_69 : vector<16xf32> to vector<16xf32>
      %get3A_71 = arith.index_cast %multiple_of3A_68 : i32 to index
      %get3A_72 = tpu.vector_load %arg17[%get3A_71] {strides = array<i32>} : memref<512xf32, #tpu.memory_space<vmem>>, vector<16xf32>,
      %get3A_73 = vector.shape_cast %get3A_72 : vector<16xf32> to vector<16xf32>
      %sub3A = arith.constant 6.380000e+00 : f32
      %sub3A_74 = vector.broadcast %sub3A : f32 to vector<16xf32>
      %sub3A_75 = arith.subf %get3A_73, %sub3A_74 : vector<16xf32>
      %mul3A_76 = arith.constant 1.000000e-03 : f32
      %mul3A_77 = vector.broadcast %mul3A_76 : f32 to vector<16xf32>
      %mul3A_78 = arith.mulf %mul3A_77, %sub3A_75 : vector<16xf32>
      %add3A_79 = arith.addf %get3A_70, %mul3A_78 : vector<16xf32>
      %max3A = arith.constant 0.000000e+00 : f32
      %max3A_80 = vector.broadcast %max3A : f32 to vector<16xf32>
      %max3A_81 = arith.maximumf %add3A_79, %max3A_80 : vector<16xf32>
      %swap3A_82 = arith.index_cast %multiple_of3A_68 : i32 to index
      %swap3A_83 = tpu.vector_load %arg22[%swap3A_82] {strides = array<i32>} : memref<512xf32, #tpu.memory_space<vmem>>, vector<16xf32>,
      %swap3A_84 = vector.shape_cast %swap3A_83 : vector<16xf32> to vector<16xf32>
      %swap3A_85 = vector.shape_cast %max3A_81 : vector<16xf32> to vector<16xf32>
      tpu.vector_store %arg22[%swap3A_82], %swap3A_85 {strides = array<i32>} : memref<512xf32, #tpu.memory_space<vmem>>, vector<16xf32>,
      %mul3A_86 = arith.mulf %get3A_70, %sub3A_75 : vector<16xf32>
      %add3A_87 = arith.addf %scan3A_65, %mul3A_86 : vector<16xf32>
      scf.yield %add3A_87 : vector<16xf32>
    }
    %scan3A_31 = arith.constant 32 : i32
    %swap3A_32 = arith.constant 1 : i32
    %swap3A_33 = arith.index_cast %swap3A_32 : i32 to index
    %swap3A_34 = arith.constant 0 : index
    %swap3A_35 = tpu.vector_load %arg24[%swap3A_33, %swap3A_34] {strides = array<i32>} : memref<3x16xf32, #tpu.memory_space<vmem>>, vector<1x16xf32>,
    %swap3A_36 = vector.shape_cast %swap3A_35 : vector<1x16xf32> to vector<16xf32>
    %swap3A_37 = vector.shape_cast %scan3A_30 : vector<16xf32> to vector<1x16xf32>
    tpu.vector_store %arg24[%swap3A_33, %swap3A_34], %swap3A_37 {strides = array<i32>} : memref<3x16xf32, #tpu.memory_space<vmem>>, vector<1x16xf32>,
    "tpu.region"() ({
      %run_scoped3A = tpu.sem_alloc : memref<!tpu.dma_semaphore, #tpu.memory_space<semaphore_mem>>
      %dma_start3A_64 = tpu.memref_slice %arg5[%multiple_of3A] : memref<16384xf32, #tpu.memory_space<hbm>> -> memref<512xf32, #tpu.memory_space<hbm>>
      %dma_start3A_65 = tpu.memref_slice %arg5[%multiple_of3A] : memref<16384xf32, #tpu.memory_space<hbm>> -> memref<512xf32, #tpu.memory_space<hbm>>
      tpu.enqueue_dma source(%dma_start3A_65 : memref<512xf32, #tpu.memory_space<hbm>>) target(%arg17 : memref<512xf32, #tpu.memory_space<vmem>>) target_semaphore(%run_scoped3A : memref<!tpu.dma_semaphore, #tpu.memory_space<semaphore_mem>>)
      %dma_wait3A_66 = tpu.memref_slice %arg5[%multiple_of3A] : memref<16384xf32, #tpu.memory_space<hbm>> -> memref<512xf32, #tpu.memory_space<hbm>>
      %dma_wait3A_67 = tpu.memref_slice %arg5[%multiple_of3A] : memref<16384xf32, #tpu.memory_space<hbm>> -> memref<512xf32, #tpu.memory_space<hbm>>
      tpu.wait_dma2 semaphore(%run_scoped3A : memref<!tpu.dma_semaphore, #tpu.memory_space<semaphore_mem>>) src(%dma_wait3A_67 : memref<512xf32, #tpu.memory_space<hbm>>) dst(%arg17 : memref<512xf32, #tpu.memory_space<vmem>>)
      tpu.yield
    }) : () -> ()
    %broadcast_in_dim3A_38 = arith.constant 0.000000e+00 : f32
    %broadcast_in_dim3A_39 = vector.broadcast %broadcast_in_dim3A_38 : f32 to vector<16xf32>
    %scan3A_40 = arith.constant 0 : i32
    %scan3A_41 = arith.constant 32 : i32
    %scan3A_42 = arith.addi %scan3A_40, %scan3A_41 : i32
    %scan3A_43 = arith.constant 1 : i32
    %scan3A_44 = scf.for %scan3A_64 = %scan3A_40 to %scan3A_42 step %scan3A_43 iter_args(%scan3A_65 = %broadcast_in_dim3A_39) -> (vector<16xf32>)  : i32 {
      %mul3A_66 = arith.constant 16 : i32
      %mul3A_67 = arith.muli %scan3A_64, %mul3A_66 : i32
      %multiple_of3A_68 = tpu.assume_multiple %mul3A_67, 16 : i32
      %get3A = arith.index_cast %multiple_of3A_68 : i32 to index
      %get3A_69 = tpu.vector_load %arg20[%get3A] {strides = array<i32>} : memref<512xf32, #tpu.memory_space<vmem>>, vector<16xf32>,
      %get3A_70 = vector.shape_cast %get3A_69 : vector<16xf32> to vector<16xf32>
      %get3A_71 = arith.index_cast %multiple_of3A_68 : i32 to index
      %get3A_72 = tpu.vector_load %arg17[%get3A_71] {strides = array<i32>} : memref<512xf32, #tpu.memory_space<vmem>>, vector<16xf32>,
      %get3A_73 = vector.shape_cast %get3A_72 : vector<16xf32> to vector<16xf32>
      %sub3A = arith.constant 3.000000e+00 : f32
      %sub3A_74 = vector.broadcast %sub3A : f32 to vector<16xf32>
      %sub3A_75 = arith.subf %get3A_73, %sub3A_74 : vector<16xf32>
      %mul3A_76 = arith.constant 1.000000e-03 : f32
      %mul3A_77 = vector.broadcast %mul3A_76 : f32 to vector<16xf32>
      %mul3A_78 = arith.mulf %mul3A_77, %sub3A_75 : vector<16xf32>
      %add3A_79 = arith.addf %get3A_70, %mul3A_78 : vector<16xf32>
      %max3A = arith.constant 0.000000e+00 : f32
      %max3A_80 = vector.broadcast %max3A : f32 to vector<16xf32>
      %max3A_81 = arith.maximumf %add3A_79, %max3A_80 : vector<16xf32>
      %swap3A_82 = arith.index_cast %multiple_of3A_68 : i32 to index
      %swap3A_83 = tpu.vector_load %arg23[%swap3A_82] {strides = array<i32>} : memref<512xf32, #tpu.memory_space<vmem>>, vector<16xf32>,
      %swap3A_84 = vector.shape_cast %swap3A_83 : vector<16xf32> to vector<16xf32>
      %swap3A_85 = vector.shape_cast %max3A_81 : vector<16xf32> to vector<16xf32>
      tpu.vector_store %arg23[%swap3A_82], %swap3A_85 {strides = array<i32>} : memref<512xf32, #tpu.memory_space<vmem>>, vector<16xf32>,
      %mul3A_86 = arith.mulf %get3A_70, %sub3A_75 : vector<16xf32>
      %add3A_87 = arith.addf %scan3A_65, %mul3A_86 : vector<16xf32>
      scf.yield %add3A_87 : vector<16xf32>
    }
    %scan3A_45 = arith.constant 32 : i32
    %swap3A_46 = arith.constant 2 : i32
    %swap3A_47 = arith.index_cast %swap3A_46 : i32 to index
    %swap3A_48 = arith.constant 0 : index
    %swap3A_49 = tpu.vector_load %arg24[%swap3A_47, %swap3A_48] {strides = array<i32>} : memref<3x16xf32, #tpu.memory_space<vmem>>, vector<1x16xf32>,
    %swap3A_50 = vector.shape_cast %swap3A_49 : vector<1x16xf32> to vector<16xf32>
    %swap3A_51 = vector.shape_cast %scan3A_44 : vector<16xf32> to vector<1x16xf32>
    tpu.vector_store %arg24[%swap3A_47, %swap3A_48], %swap3A_51 {strides = array<i32>} : memref<3x16xf32, #tpu.memory_space<vmem>>, vector<1x16xf32>,
    %dma_start3A_52 = arith.constant 0 : i32
    %dma_start3A_53 = tpu.memref_slice %arg9[%dma_start3A_52] : memref<1000000xf32, #tpu.memory_space<hbm>> -> memref<1000000xf32, #tpu.memory_space<hbm>>
    tpu.enqueue_indirect_dma source(%arg21 : memref<512xf32, #tpu.memory_space<vmem>>) target(%dma_start3A_53 : memref<1000000xf32, #tpu.memory_space<hbm>>) offsets(%arg16 : memref<512xi32, #tpu.memory_space<vmem>>) semaphore(%arg25 : memref<!tpu.dma_semaphore, #tpu.memory_space<semaphore_mem>>)
    %dma_start3A_54 = arith.constant 0 : i32
    %dma_start3A_55 = tpu.memref_slice %arg10[%dma_start3A_54] : memref<1000000xf32, #tpu.memory_space<hbm>> -> memref<1000000xf32, #tpu.memory_space<hbm>>
    tpu.enqueue_indirect_dma source(%arg22 : memref<512xf32, #tpu.memory_space<vmem>>) target(%dma_start3A_55 : memref<1000000xf32, #tpu.memory_space<hbm>>) offsets(%arg16 : memref<512xi32, #tpu.memory_space<vmem>>) semaphore(%arg25 : memref<!tpu.dma_semaphore, #tpu.memory_space<semaphore_mem>>)
    %dma_start3A_56 = arith.constant 0 : i32
    %dma_start3A_57 = tpu.memref_slice %arg11[%dma_start3A_56] : memref<1000000xf32, #tpu.memory_space<hbm>> -> memref<1000000xf32, #tpu.memory_space<hbm>>
    tpu.enqueue_indirect_dma source(%arg23 : memref<512xf32, #tpu.memory_space<vmem>>) target(%dma_start3A_57 : memref<1000000xf32, #tpu.memory_space<hbm>>) offsets(%arg16 : memref<512xi32, #tpu.memory_space<vmem>>) semaphore(%arg25 : memref<!tpu.dma_semaphore, #tpu.memory_space<semaphore_mem>>)
    %dma_wait3A_58 = arith.constant 0 : i32
    %dma_wait3A_59 = tpu.memref_slice %arg9[%dma_wait3A_58] : memref<1000000xf32, #tpu.memory_space<hbm>> -> memref<1000000xf32, #tpu.memory_space<hbm>>
    tpu.wait_indirect_dma semaphore(%arg25 : memref<!tpu.dma_semaphore, #tpu.memory_space<semaphore_mem>>) src(%arg21 : memref<512xf32, #tpu.memory_space<vmem>>) dst(%dma_wait3A_59 : memref<1000000xf32, #tpu.memory_space<hbm>>)
    %dma_wait3A_60 = arith.constant 0 : i32
    %dma_wait3A_61 = tpu.memref_slice %arg10[%dma_wait3A_60] : memref<1000000xf32, #tpu.memory_space<hbm>> -> memref<1000000xf32, #tpu.memory_space<hbm>>
    tpu.wait_indirect_dma semaphore(%arg25 : memref<!tpu.dma_semaphore, #tpu.memory_space<semaphore_mem>>) src(%arg22 : memref<512xf32, #tpu.memory_space<vmem>>) dst(%dma_wait3A_61 : memref<1000000xf32, #tpu.memory_space<hbm>>)
    %dma_wait3A_62 = arith.constant 0 : i32
    %dma_wait3A_63 = tpu.memref_slice %arg11[%dma_wait3A_62] : memref<1000000xf32, #tpu.memory_space<hbm>> -> memref<1000000xf32, #tpu.memory_space<hbm>>
    tpu.wait_indirect_dma semaphore(%arg25 : memref<!tpu.dma_semaphore, #tpu.memory_space<semaphore_mem>>) src(%arg23 : memref<512xf32, #tpu.memory_space<vmem>>) dst(%dma_wait3A_63 : memref<1000000xf32, #tpu.memory_space<hbm>>)
    "tpu.region"() ({
      %run_scoped3A = tpu.sem_alloc : memref<!tpu.dma_semaphore, #tpu.memory_space<semaphore_mem>>
      %dma_start3A_64 = arith.constant 0 : i32
      %dma_start3A_65 = arith.constant 0 : i32
      %dma_start3A_66 = tpu.memref_slice %arg12[%arg0, %arg1, %dma_start3A_64, %dma_start3A_65] : memref<2x16x3x16xf32, #tpu.memory_space<hbm>> -> memref<1x1x3x16xf32, #tpu.memory_space<hbm>>
      %dma_start3A_67 = tpu.memref_squeeze %dma_start3A_66 : memref<1x1x3x16xf32, #tpu.memory_space<hbm>> -> memref<3x16xf32, #tpu.memory_space<hbm>>
      %dma_start3A_68 = arith.constant 0 : i32
      %dma_start3A_69 = arith.constant 0 : i32
      %dma_start3A_70 = tpu.memref_slice %arg12[%arg0, %arg1, %dma_start3A_68, %dma_start3A_69] : memref<2x16x3x16xf32, #tpu.memory_space<hbm>> -> memref<1x1x3x16xf32, #tpu.memory_space<hbm>>
      %dma_start3A_71 = tpu.memref_squeeze %dma_start3A_70 : memref<1x1x3x16xf32, #tpu.memory_space<hbm>> -> memref<3x16xf32, #tpu.memory_space<hbm>>
      tpu.enqueue_dma source(%arg24 : memref<3x16xf32, #tpu.memory_space<vmem>>) target(%dma_start3A_71 : memref<3x16xf32, #tpu.memory_space<hbm>>) target_semaphore(%run_scoped3A : memref<!tpu.dma_semaphore, #tpu.memory_space<semaphore_mem>>)
      %dma_wait3A_72 = arith.constant 0 : i32
      %dma_wait3A_73 = arith.constant 0 : i32
      %dma_wait3A_74 = tpu.memref_slice %arg12[%arg0, %arg1, %dma_wait3A_72, %dma_wait3A_73] : memref<2x16x3x16xf32, #tpu.memory_space<hbm>> -> memref<1x1x3x16xf32, #tpu.memory_space<hbm>>
      %dma_wait3A_75 = tpu.memref_squeeze %dma_wait3A_74 : memref<1x1x3x16xf32, #tpu.memory_space<hbm>> -> memref<3x16xf32, #tpu.memory_space<hbm>>
      %dma_wait3A_76 = arith.constant 0 : i32
      %dma_wait3A_77 = arith.constant 0 : i32
      %dma_wait3A_78 = tpu.memref_slice %arg12[%arg0, %arg1, %dma_wait3A_76, %dma_wait3A_77] : memref<2x16x3x16xf32, #tpu.memory_space<hbm>> -> memref<1x1x3x16xf32, #tpu.memory_space<hbm>>
      %dma_wait3A_79 = tpu.memref_squeeze %dma_wait3A_78 : memref<1x1x3x16xf32, #tpu.memory_space<hbm>> -> memref<3x16xf32, #tpu.memory_space<hbm>>
      tpu.wait_dma2 semaphore(%run_scoped3A : memref<!tpu.dma_semaphore, #tpu.memory_space<semaphore_mem>>) src(%arg24 : memref<3x16xf32, #tpu.memory_space<vmem>>) dst(%dma_wait3A_79 : memref<3x16xf32, #tpu.memory_space<hbm>>)
      tpu.yield
    }) : () -> ()
    return
  }
}

module attributes {stable_mosaic.version = 14 : i64} {
  func.func @_tc_copy_body(%arg0: i32, %arg1: memref<131072xf32, #tpu.memory_space<vmem>>, %arg2: memref<131072xf32, #tpu.memory_space<vmem>>, %arg3: memref<131072xf32, #tpu.memory_space<vmem>>, %arg4: memref<131072xf32, #tpu.memory_space<vmem>>, %arg5: memref<131072xf32, #tpu.memory_space<vmem>>, %arg6: memref<131072xf32, #tpu.memory_space<vmem>>) attributes {dimension_semantics = [#tpu.dimension_semantics<arbitrary>], iteration_bounds = array<i64: 8>, scalar_prefetch = 0 : i64, scratch_operands = 0 : i64, tpu.core_type = #tpu.core_type<tc>, window_params = [{transform_indices = @transform_0, window_bounds = array<i64: 131072>}, {transform_indices = @transform_1, window_bounds = array<i64: 131072>}, {transform_indices = @transform_2, window_bounds = array<i64: 131072>}, {transform_indices = @transform_3, window_bounds = array<i64: 131072>}, {transform_indices = @transform_4, window_bounds = array<i64: 131072>}, {transform_indices = @transform_5, window_bounds = array<i64: 131072>}]} {
    %get3A = arith.constant 0 : index
    %get3A_0 = vector.load %arg1[%get3A] : memref<131072xf32, #tpu.memory_space<vmem>>, vector<131072xf32>
    %swap3A = arith.constant 0 : index
    %swap3A_1 = vector.load %arg4[%swap3A] : memref<131072xf32, #tpu.memory_space<vmem>>, vector<131072xf32>
    tpu.vector_store %arg4[%swap3A], %get3A_0 {strides = array<i32>} : memref<131072xf32, #tpu.memory_space<vmem>>, vector<131072xf32>,
    %get3A_2 = arith.constant 0 : index
    %get3A_3 = vector.load %arg2[%get3A_2] : memref<131072xf32, #tpu.memory_space<vmem>>, vector<131072xf32>
    %swap3A_4 = arith.constant 0 : index
    %swap3A_5 = vector.load %arg5[%swap3A_4] : memref<131072xf32, #tpu.memory_space<vmem>>, vector<131072xf32>
    tpu.vector_store %arg5[%swap3A_4], %get3A_3 {strides = array<i32>} : memref<131072xf32, #tpu.memory_space<vmem>>, vector<131072xf32>,
    %get3A_6 = arith.constant 0 : index
    %get3A_7 = vector.load %arg3[%get3A_6] : memref<131072xf32, #tpu.memory_space<vmem>>, vector<131072xf32>
    %swap3A_8 = arith.constant 0 : index
    %swap3A_9 = vector.load %arg6[%swap3A_8] : memref<131072xf32, #tpu.memory_space<vmem>>, vector<131072xf32>
    tpu.vector_store %arg6[%swap3A_8], %get3A_7 {strides = array<i32>} : memref<131072xf32, #tpu.memory_space<vmem>>, vector<131072xf32>,
    return
  }
  func.func @transform_0(%arg0: i32) -> i32 {
    %c0_i32 = arith.constant 0 : i32
    return %arg0 : i32
  }
  func.func @transform_1(%arg0: i32) -> i32 {
    %c0_i32 = arith.constant 0 : i32
    return %arg0 : i32
  }
  func.func @transform_2(%arg0: i32) -> i32 {
    %c0_i32 = arith.constant 0 : i32
    return %arg0 : i32
  }
  func.func @transform_3(%arg0: i32) -> i32 {
    %c0_i32 = arith.constant 0 : i32
    return %arg0 : i32
  }
  func.func @transform_4(%arg0: i32) -> i32 {
    %c0_i32 = arith.constant 0 : i32
    return %arg0 : i32
  }
  func.func @transform_5(%arg0: i32) -> i32 {
    %c0_i32 = arith.constant 0 : i32
    return %arg0 : i32
  }
}

</mosaic_0001>

<sc_bundles>
// kernel: kernel.4.cloned.1.call-start
scs
__scs_entry_jumppad:
0x0: {  	(pc) =	sbr.rel $0x88, $3  }
0x1: {  	(tag) =	ssettag $0x0;
	lr =	simm.s32 $0x1  }
0x2: {  	[smem:$0x3F99] =	sst lr;
	_ =	strace $0xD0000000  }
0x3: {  	_ = 	snop  }
0x4: {  	_ = 	snop  }
0x5: {  	_ = 	snop  }
0x6: {  	_ = 	snop  }
0x7: {  	_ = 	snop  }
__scs_overlays_trampoline_lowered:
0x8: {  	[smem:$0x3FA8] =	sst s0  }
0x9: {  	[smem:$0x3FA9] =	sst s1  }
0xa: {  	[smem:$0x3FAA] =	sst s2  }
0xb: {  	[smem:$0x3FAB] =	sst s3  }
0xc: {  	[smem:$0x3FAC] =	sst s4  }
0xd: {  	[smem:$0x3FAD] =	sst s5  }
0xe: {  	[smem:$0x3FAE] =	sst s6  }
0xf: {  	[smem:$0x3FAF] =	sst s7  }
0x10: {  	[smem:$0x3FB0] =	sst s8  }
0x11: {  	[smem:$0x3FB1] =	sst s9;
	s0 =	simm.s32 @!p0 $0x0  }
0x12: {  	s1 =	sld [smem:$0x3F97];
	s0 =	simm.s32 @p0 $0x1  }
0x13: {  	[smem:$0x3FB2] =	sst s0;
	s0 =	simm.s32 @!p1 $0x0  }
0x14: {  	s2 =	sld [smem:$0x3F96];
	s0 =	simm.s32 @p1 $0x1  }
0x15: {  	[smem:$0x3FB3] =	sst s0;
	s0 =	simm.s32 @!p2 $0x0  }
0x16: {  	s3 =	sld [smem:$0x3FDB];
	s0 =	simm.s32 @p2 $0x1  }
0x17: {  	s4 =	simm.s32 $0x1BF5;
	[smem:$0x3FB5] =	sst s0  }
0x18: {  	s0 =	sld [smem:$0x3F98];
	_ =	swait.ge [sflag:s4], $0x0  }
0x19: {  	s7 =	sld [smem:$0x3F99]  }
0x1a: {  	s8 =	sadd.s32 $0xFFFFE003, lr  }
0x1b: {  	s9 =	sadd.s32 $0xFFFFFEF7, lr;
	s5 =	simm.s32 $0xFFFFFFFF;
	p2 =	slt.u32 s8, $0xFFFFF086  }
0x1c: {  	p1 =	slt.u32 s9, $0xF7A;
	s5 =	simm.s32 @!p2 $0x0  }
0x1d: {  	s5 =	simm.s32 @p1 $0x1;
	p0 =	seq.s32 s7, s2  }
0x1e: {  	s7 =	smul.u32 @!p0 $0xF7A, s2;
	p2 =	seq.s32 @!p0 s5, $0x0  }
0x1f: {  	s9 =	smul.u32 $0xF7A, s1;
	s8 =	simm.s32 @!p0 $0x1BF5;
	p2 =	por !p2, p0  }
0x20: {  	[sflag:s8] =	ssyncset.s32 @!p0 $0xFFFFF086;
	s6 =	sadd.s32 @!p0 s3, s7;
	s7 =	simm.s32 @!p0 $0x108  }
0x21: {  	s3 =	sadd.s32 s3, s9;
	s6 =	sadd.s32 @!p0 $0x88, s6;
	s7 =	simm.s32 @p2 $0x1082  }
0x22: {  	[simem:s7], [sflag:s8] =	dma.local @!p0 [hbm:s6], $0xF7A  }
0x23: {  	s9 =	sor.u32 $0xD0000000, s2;
	s6 =	simm.s32 $0x108;
	_ =	swait.ge @!p0 [sflag:s8], $0x0  }
0x24: {  	s3 =	sadd.s32 $0x88, s3;
	s6 =	simm.s32 @!p1 $0x1082;
	[sflag:s4] =	ssyncset.s32 $0xFFFFF086  }
0x25: {  	[simem:s6], [sflag:s4] =	dma.local [hbm:s3], $0xF7A  }
0x26: {  	[smem:$0x3F99] =	sst s1;
	(tag) =	ssettag s2;
	_ =	strace s9  }
0x27: {  	s1 =	sld [smem:$0x3FA9]  }
0x28: {  	s2 =	sld [smem:$0x3FAA]  }
0x29: {  	s4 =	sld [smem:$0x3FAC]  }
0x2a: {  	p0 =	seq.s32 s5, $0x0;
	s5 =	sld [smem:$0x3FAD]  }
0x2b: {  	s6 =	sld [smem:$0x3FAE]  }
0x2c: {  	s7 =	sld [smem:$0x3FAF]  }
0x2d: {  	s3 =	simm.s32 $0x108;
	s8 =	sld [smem:$0x3FB0]  }
0x2e: {  	s3 =	simm.s32 @!p0 $0x1082;
	s9 =	sld [smem:$0x3FB1]  }
0x2f: {  	lr =	sadd.s32 s0, s3;
	s0 =	sld [smem:$0x3FA8]  }
0x30: {  	s3 =	sld [smem:$0x3FAB]  }
0x31: {  	[smem:$0x3FB4] =	sst s10  }
0x32: {  	s10 =	sld [smem:$0x3FB2];
	_ =	sdelay $0x3  }
0x33: {  	p0 =	seq.s32 s10, $0x1;
	s10 =	sld [smem:$0x3FB4];
	_ =	sdelay $0x3  }
0x34: {  	[smem:$0x3FB4] =	sst s10  }
0x35: {  	s10 =	sld [smem:$0x3FB3];
	_ =	sdelay $0x3  }
0x36: {  	p1 =	seq.s32 s10, $0x1;
	s10 =	sld [smem:$0x3FB4];
	_ =	sdelay $0x3  }
0x37: {  	[smem:$0x3FB4] =	sst s10  }
0x38: {  	s10 =	sld [smem:$0x3FB5]  }
0x39: {  	_ = 	snop;
	(pc) =	sbr.ind lr, $3  }
0x3a: {  	_ = 	snop  }
0x3b: {  	_ = 	snop  }
0x3c: {  	p2 =	seq.s32 s10, $0x1;
	s10 =	sld [smem:$0x3FB4]  }
0x3d: {  	_ =	shalt  }
0x3e: {  	_ =	shalt  }
0x3f: {  	_ =	shalt  }
0x40: {  	_ =	shalt  }
0x41: {  	_ =	shalt  }
0x42: {  	_ =	shalt  }
0x43: {  	_ =	shalt  }
0x44: {  	_ =	shalt  }
0x45: {  	_ =	shalt  }
0x46: {  	_ =	shalt  }
0x47: {  	_ =	shalt  }
0x48: {  	_ =	shalt  }
0x49: {  	_ =	shalt  }
0x4a: {  	_ =	shalt  }
0x4b: {  	_ =	shalt  }
0x4c: {  	_ =	shalt  }
0x4d: {  	_ =	shalt  }
0x4e: {  	_ =	shalt  }
0x4f: {  	_ =	shalt  }
0x50: {  	_ =	shalt  }
0x51: {  	_ =	shalt  }
0x52: {  	_ =	shalt  }
0x53: {  	_ =	shalt  }
0x54: {  	_ =	shalt  }
0x55: {  	_ =	shalt  }
0x56: {  	_ =	shalt  }
0x57: {  	_ =	shalt  }
0x58: {  	_ =	shalt  }
0x59: {  	_ =	shalt  }
0x5a: {  	_ =	shalt  }
0x5b: {  	_ =	shalt  }
0x5c: {  	_ =	shalt  }
0x5d: {  	_ =	shalt  }
0x5e: {  	_ =	shalt  }
0x5f: {  	_ =	shalt  }
0x60: {  	_ =	shalt  }
0x61: {  	_ =	shalt  }
0x62: {  	_ =	shalt  }
0x63: {  	_ =	shalt  }
0x64: {  	_ =	shalt  }
0x65: {  	_ =	shalt  }
0x66: {  	_ =	shalt  }
0x67: {  	_ =	shalt  }
0x68: {  	_ =	shalt  }
0x69: {  	_ =	shalt  }
0x6a: {  	_ =	shalt  }
0x6b: {  	_ =	shalt  }
0x6c: {  	_ =	shalt  }
0x6d: {  	_ =	shalt  }
0x6e: {  	_ =	shalt  }
0x6f: {  	_ =	shalt  }
0x70: {  	_ =	shalt  }
0x71: {  	_ =	shalt  }
0x72: {  	_ =	shalt  }
0x73: {  	_ =	shalt  }
0x74: {  	_ =	shalt  }
0x75: {  	_ =	shalt  }
0x76: {  	_ =	shalt  }
0x77: {  	_ =	shalt  }
0x78: {  	_ =	shalt  }
0x79: {  	_ =	shalt  }
0x7a: {  	_ =	shalt  }
0x7b: {  	_ =	shalt  }
0x7c: {  	_ =	shalt  }
0x7d: {  	_ =	shalt  }
0x7e: {  	_ =	shalt  }
0x7f: {  	_ =	shalt  }
0x80: {  	_ =	shalt  }
0x81: {  	_ =	shalt  }
0x82: {  	_ =	shalt  }
0x83: {  	_ =	shalt  }
0x84: {  	_ =	shalt  }
0x85: {  	_ =	shalt  }
0x86: {  	_ =	shalt  }
0x87: {  	_ =	shalt  }
.Lfunc_end0:
.L_simem_size_0:
called_computation_lowered:
.L_overlay_start_0:
0x88: {  	s2 =	sld [smem:$0x3FD9]  }
0x89: {  	s3 =	sld [smem:$0x3FFE];
	_ =	sdelay $0x1  }
0x8a: {  	s1 =	srdreg.scid  }
0x8b: {  	s0 =	sand.u32 $0x1, s1  }
0x8c: {  	s30 =	sshll.u32 s0, $0xA;
	s2 =	sadd.s32 s3, s2  }
0x8d: {  	s2 =	sadd.s32 s2, s30  }
0x8e: {  	[smem:$0x3FC0] =	sst s2  }
0x8f: {  	_ = 	snop  }
0x90: {  	s2 =	sld [smem:$0x3FC8]  }
0x91: {  	s31 =	sld [smem:$0x3FC7]  }
0x92: {  	s4 =	sld [smem:$0x3FC6]  }
0x93: {  	s5 =	sld [smem:$0x3FC5]  }
0x94: {  	s6 =	sld [smem:$0x3FD0]  }
0x95: {  	s7 =	sld [smem:$0x3FC4]  }
0x96: {  	s8 =	sld [smem:$0x3FC3]  }
0x97: {  	s10 =	simm.s32 $0xA;
	s11 =	simm.s32 $0x10;
	s9 =	sld [smem:$0x3FC2]  }
0x98: {  	[smem:s11], [sflag:s10] =	dma.local [hbm:s6], $0x1  }
0x99: {  	_ =	swait.eq [sflag:s10], $0x1  }
0x9a: {  	s11 =	sld [smem:$0x11];
	[sflag:s10] =	ssyncset.done $0x0  }
0x9b: {  	s17 =	sld [smem:$0x12];
	[sflag:s10] =	ssyncadd.s32 $0xFFFFFFFF  }
0x9c: {  	s18 =	sld [smem:$0x13];
	(tm) =	ssettm $0x1  }
0x9d: {  	s12 =	sld [smem:$0x3FFB];
	_ =	sdelay $0x3  }
0x9e: {  	_ =	strace s12  }
0x9f: {  	s12 =	sld [smem:$0x3FFC];
	_ =	sdelay $0x3  }
0xa0: {  	_ =	strace s12  }
0xa1: {  	s12 =	sld [smem:$0x3FFD];
	_ =	sdelay $0x3  }
0xa2: {  	_ =	strace s12  }
0xa3: {  	_ =	strace $0x8FFFFFFF  }
0xa4: {  	s19 =	sld [smem:$0x3FDB];
	_ =	sdelay $0x1  }
0xa5: {  	s13 =	simm.s32 $_scs_section_size  }
0xa6: {  	s14 =	simm.s32 $_size__tile_overlayer_lowered;
	s15 =	simm.s32 $_tile_overlayer_lowered  }
0xa7: {  	s22 =	simm.s32 $0x1BFF;
	s21 =	sshll.u32 s15, $0x1;
	s12 =	sadd.s32 s13, s19  }
0xa8: {  	s16 =	simm.s32 $0x0;
	s20 =	sshll.u32 s14, $0x1;
	s14 =	sadd.s32 s21, s12  }
0xa9: {  	[timem:s16], [sflag:s22] =	dma.local [hbm:s14], s20  }
0xaa: {  	_ =	swait.ge [sflag:s22], s20  }
0xab: {  	s13 =	ssub.s32 $0x0, s20;
	[sflag:s22] =	ssyncset.done $0x0  }
0xac: {  	[sflag:s22] =	ssyncadd.s32 s13;
	_ =	sdelay $0x1  }
0xad: {  	s23 =	simm.s32 $0x1B8B  }
0xae: {  	_ =	swait.ge [sflag:s23], $0x1  }
0xaf: {  	[sflag:s23] =	ssyncset.done $0x0  }
0xb0: {  	s25 =	simm.s32 $0x1B8E;
	s24 =	sld [smem:$0x3FFE];
	[sflag:s23] =	ssyncadd.s32 $0xFFFFFFFF  }
0xb1: {  	s26 =	simm.s32 $execute0_lowered;
	[smem:$0x3FD2] =	sst s25  }
0xb2: {  	s14 =	sshll.u32 s26, $0x1;
	_ =	strace $0x80000046;
	[dreg:$0x1] =	wrdreg $0xFFFFFFFF  }
0xb3: {  	s28 =	simm.s32 $_size_execute0_lowered;
	s12 =	sadd.s32 s12, s14;
	[dreg:$0x0] =	wrdreg $0x0  }
0xb4: {  	s14 =	sshll.u32 s28, $0x1;
	[dreg:$0x2] =	wrdreg s12  }
0xb5: {  	[dreg:$0x3] =	wrdreg s14  }
0xb6: {  	[dreg:$0x4] =	wrdreg $0xC0  }
0xb7: {  	_ =	task [dreg:s16], $0x5FFFF  }
0xb8: {  	[dreg:$0x1] =	wrdreg $0xFFFFFFFF  }
0xb9: {  	[dreg:$0x0] =	wrdreg $0x60  }
0xba: {  	[dreg:$0x2] =	wrdreg s5  }
0xbb: {  	[dreg:$0x3] =	wrdreg s2  }
0xbc: {  	[dreg:$0x4] =	wrdreg s31  }
0xbd: {  	[dreg:$0x5] =	wrdreg s4  }
0xbe: {  	[dreg:$0x6] =	wrdreg s7  }
0xbf: {  	[dreg:$0x7] =	wrdreg s8  }
0xc0: {  	[dreg:$0x8] =	wrdreg s9  }
0xc1: {  	[dreg:$0x9] =	wrdreg s11  }
0xc2: {  	[dreg:$0xa] =	wrdreg s17  }
0xc3: {  	[dreg:$0xb] =	wrdreg s18  }
0xc4: {  	[dreg:$0xc] =	wrdreg s24  }
0xc5: {  	[dreg:$0xd] =	wrdreg $0x9  }
0xc6: {  	_ =	task.clear_ibuf [dreg:s16], $0xEFFFF;
	_ =	strace $0x90000046  }
0xc7: {  	s29 =	simm.s32 $0x9;
	_ =	strace $0x80000048  }
0xc8: {  	_ =	swait.ge [sflag:s29], $0x1  }
0xc9: {  	[sflag:s29] =	ssyncadd.s32 $0xFFFFFFFF  }
0xca: {  	_ =	strace $0x90000048  }
0xcb: {  	_ =	sfence  }
0xcc: {  	s30 =	sld [smem:$0x0];
	_ =	sdelay $0x2  }
0xcd: {  	s31 =	sshll.u32 s1, $0xD;
	s1 =	sshrl.u32 s1, $0x2  }
0xce: {  	s3 =	sand.u32 $0x4000, s31;
	s1 =	sadd.s32 s1, s30  }
0xcf: {  	s0 =	sor.u32 s3, s0;
	s1 =	sshll.u32 s1, $0x11  }
0xd0: {  	s0 =	sor.u32 s1, s0  }
0xd1: {  	s0 =	sadd.s32 $0x8F2B, s0  }
0xd2: {  	[sflag:s0] =	ssyncadd.remote.s32 $0x1  }
0xd3: {  	_ =	sfence.sel $0xFFFF  }
0xd4: {  	[dreg:$0x0] =	wrdreg $0xFFFFFFFF;
	(pc) =	sbr.abs _section_cstart, $3  }
0xd5: {  	[dreg:$0x1] =	wrdreg $0xFFFFFFFF  }
0xd6: {  	_ =	task.clear_ibuf [dreg:s16], $0x2FFFF;
	_ =	strace $0x9FFFFFFF  }
0xd7: {  	(tm) =	ssettm $0x7FFFFFFF  }
tec
execute0_lowered:
.L_overlay_start_1:
0x0: {  	(tag) =	ssettag $0x1  }
0x1: {  	s9 =	rddreg [dreg:$0x0]  }
0x2: {  	s10 =	rddreg [dreg:$0x1]  }
0x3: {  	s11 =	rddreg [dreg:$0x2]  }
0x4: {  	s12 =	rddreg [dreg:$0x3]  }
0x5: {  	s0 =	rddreg [dreg:$0x4]  }
0x6: {  	s1 =	rddreg [dreg:$0x5]  }
0x7: {  	s3 =	rddreg [dreg:$0x6]  }
0x8: {  	s4 =	rddreg [dreg:$0x7]  }
0x9: {  	s5 =	rddreg [dreg:$0x8]  }
0xa: {  	s7 =	rddreg [dreg:$0x9]  }
0xb: {  	s13 =	rddreg [dreg:$0xa];
	s8 =	srdreg.scid  }
0xc: {  	s2 =	rddreg [dreg:$0xb];
	s6 =	stileid.u32;
	s17 =	simm.s32 $0x400  }
0xd: {  	s18 =	simm.s32 $0x600;
	s19 =	simm.s32 $0x800;
	s20 =	simm.s32 $0x1  }
0xe: {  	s21 =	simm.s32 $0xA00;
	s22 =	simm.s32 $0xC00;
	s23 =	simm.s32 $0xE00  }
0xf: {  	s24 =	simm.s32 $0x1000;
	s25 =	simm.s32 $0x0;
	s14 =	sand.u32 $0x1, s8  }
0x10: {  	s8 =	simm.s32 $0x0;
	s16 =	sshll.u32 s6, $0x6;
	s15 =	sshll.u32 s14, $0xA  }
0x11: {  	[smem:$0x7FF] =	sst s8;
	s14 =	ssub.s32 $0x2, s14;
	s15 =	sor.u32 s16, s15  }
0x12: {  	_ =	strace $0x80000047;
	s31 =	sshrl.u32 s14, $0x1;
	s16 =	simm.s32 $0x200  }
0x13: {  	s13 =	sadd.s32 s15, s13;
	s14 =	ssub.s32 s14, s31;
	s9 =	sadd.s32 s9, s15  }
0x14: {  	s10 =	sadd.s32 s10, s15;
	s11 =	sadd.s32 s11, s15;
	s12 =	sadd.s32 s12, s15  }
0x15: {  	s15 =	simm.s32 $0x2;
	s13 =	sadd.s32 $0xC00, s13;
	s14 =	smax.u32 s14, $0x1  }
.LBB2_1:
0x16: {  	[tilespmem:s8], [sflag:$0x2] =	stream.linear.gather [hbm4b:s9+s8], $0x200, $0x38;
	[tilespmem:$0x1200] =	vst v63  }
0x17: {  	_ =	swait.ge [sflag:s15], $0x200  }
0x18: {  	[sflag:s15] =	ssyncset.done $0x0  }
0x19: {  	[sflag:s15] =	ssyncadd.s32 $0xFFFFFE00  }
0x1a: {  	[tilespmem:s17], [sflag:$0x1] =	stream.indirect.gather [hbm4b:s0+s16], $0x1, s8, s16, $0xb8;
	[tilespmem:$0x1200] =	vst v63  }
0x1b: {  	_ = 	snop  }
0x1c: {  	[tilespmem:s18], [sflag:$0x1] =	stream.indirect.gather [hbm4b:s1+s16], $0x1, s8, s16, $0xb8;
	[tilespmem:$0x1200] =	vst v63  }
0x1d: {  	_ = 	snop  }
0x1e: {  	[tilespmem:s19], [sflag:$0x1] =	stream.indirect.gather [hbm4b:s3+s16], $0x1, s8, s16, $0xb8;
	[tilespmem:$0x1200] =	vst v63  }
0x1f: {  	_ =	swait.ge [sflag:s20], $0x200  }
0x20: {  	[sflag:s20] =	ssyncset.done $0x0  }
0x21: {  	[sflag:s20] =	ssyncadd.s32 $0xFFFFFE00  }
0x22: {  	_ =	swait.ge [sflag:s20], $0x200  }
0x23: {  	[sflag:s20] =	ssyncset.done $0x0  }
0x24: {  	[sflag:s20] =	ssyncadd.s32 $0xFFFFFE00  }
0x25: {  	_ =	swait.ge [sflag:s20], $0x200  }
0x26: {  	[sflag:s20] =	ssyncset.done $0x0  }
0x27: {  	[sflag:s20] =	ssyncadd.s32 $0xFFFFFE00  }
0x28: {  	[tilespmem:s16], [sflag:$0x2] =	stream.linear.gather [hbm4b:s10+s8], $0x200, $0x38;
	[tilespmem:$0x1200] =	vst v63  }
0x29: {  	_ =	swait.ge [sflag:s15], $0x200  }
0x2a: {  	[sflag:s15] =	ssyncset.done $0x0  }
0x2b: {  	s26 =	simm.s32 $0x0;
	[sflag:s15] =	ssyncadd.s32 $0xFFFFFE00  }
0x2c: {  	v0 =	vld [tilespmem:s26+$0x200];
	_ =	sdelay $0x3  }
0x2d: {  	v1 =	vld [tilespmem:s26+$0x400]  }
0x2e: {  	s28 =	simm.s32 $0x10;
	v4 =	vadd.f32 $-7.599999760e-02, v0  }
0x2f: {  	v2 =	vld [tilespmem:s28+$0x200]  }
0x30: {  	v3 =	vmul.f32 $1.000000050e-03, v4;
	_ =	sdelay $0x1  }
0x31: {  	v4 =	vmul.f32 v4, v1;
	v3 =	vadd.f32 v3, v1  }
0x32: {  	s29 =	simm.s32 $0x80;
	v0 =	vimm.f32 $0.0e+00;
	v1 =	vld [tilespmem:s28+$0x400]  }
.LBB2_2:
0x33: {  	s30 =	sshra.s32 s29, $0x2;
	p0 =	sne.s32 s29, $0x7C0;
	s29 =	sadd.s32 $0x40, s29;
	v5 =	vadd.f32 $-7.599999760e-02, v2;
	v3 =	vmax.f32 v3, $0.0e+00;
	v0 =	vadd.f32 v4, v0  }
.Ltmp0:
0x34: {  	v2 =	vld [tilespmem:s30+$0x200];
	[tilespmem:s26+$0xA00] =	vst v3;
	s26 =	smov.u32 s28;
	s28 =	smov.u32 s30;
	(pc) =	sbr.rel @p0 .LBB2_2-.Ltmp0, $3  }
0x35: {  	v3 =	vmul.f32 $1.000000050e-03, v5;
	_ =	sdelay $0x1  }
0x36: {  	v3 =	vadd.f32 v3, v1;
	v4 =	vmul.f32 v5, v1  }
0x37: {  	v1 =	vld [tilespmem:s28+$0x400]  }
0x38: {  	v2 =	vadd.f32 $-7.599999760e-02, v2;
	_ =	sdelay $0x1  }
0x39: {  	v5 =	vmul.f32 $1.000000050e-03, v2;
	_ =	sdelay $0x1  }
0x3a: {  	v0 =	vadd.f32 v4, v0;
	v4 =	vadd.f32 v5, v1;
	v1 =	vmul.f32 v2, v1  }
0x3b: {  	v2 =	vmax.f32 v3, $0.0e+00  }
0x3c: {  	[tilespmem:s26+$0xA00] =	vst v2;
	v2 =	vmax.f32 v4, $0.0e+00;
	v0 =	vadd.f32 v1, v0  }
0x3d: {  	[tilespmem:s28+$0xA00] =	vst v2  }
0x3e: {  	s31 =	simm.s32 $0x0;
	[tilespmem:$0x1000] =	vst v0  }
0x3f: {  	[tilespmem:s16], [sflag:$0x2] =	stream.linear.gather [hbm4b:s11+s31], $0x200, $0x38;
	[tilespmem:$0x1200] =	vst v63  }
0x40: {  	_ =	swait.ge [sflag:s15], $0x200  }
0x41: {  	[sflag:s15] =	ssyncset.done $0x0  }
0x42: {  	s26 =	simm.s32 $0x0;
	[sflag:s15] =	ssyncadd.s32 $0xFFFFFE00  }
0x43: {  	v0 =	vld [tilespmem:s26+$0x200];
	_ =	sdelay $0x3  }
0x44: {  	v1 =	vld [tilespmem:s26+$0x600]  }
0x45: {  	s28 =	simm.s32 $0x10;
	v4 =	vadd.f32 $-6.380000110e+00, v0  }
0x46: {  	v2 =	vld [tilespmem:s28+$0x200]  }
0x47: {  	v3 =	vmul.f32 $1.000000050e-03, v4;
	_ =	sdelay $0x1  }
0x48: {  	v4 =	vmul.f32 v4, v1;
	v3 =	vadd.f32 v3, v1  }
0x49: {  	s29 =	simm.s32 $0x80;
	v0 =	vimm.f32 $0.0e+00;
	v1 =	vld [tilespmem:s28+$0x600]  }
.LBB2_4:
0x4a: {  	s30 =	sshra.s32 s29, $0x2;
	p0 =	sne.s32 s29, $0x7C0;
	s29 =	sadd.s32 $0x40, s29;
	v5 =	vadd.f32 $-6.380000110e+00, v2;
	v3 =	vmax.f32 v3, $0.0e+00;
	v0 =	vadd.f32 v4, v0  }
.Ltmp1:
0x4b: {  	v2 =	vld [tilespmem:s30+$0x200];
	[tilespmem:s26+$0xC00] =	vst v3;
	s26 =	smov.u32 s28;
	s28 =	smov.u32 s30;
	(pc) =	sbr.rel @p0 .LBB2_4-.Ltmp1, $3  }
0x4c: {  	v3 =	vmul.f32 $1.000000050e-03, v5;
	_ =	sdelay $0x1  }
0x4d: {  	v3 =	vadd.f32 v3, v1;
	v4 =	vmul.f32 v5, v1  }
0x4e: {  	v1 =	vld [tilespmem:s28+$0x600]  }
0x4f: {  	v2 =	vadd.f32 $-6.380000110e+00, v2;
	_ =	sdelay $0x1  }
0x50: {  	v5 =	vmul.f32 $1.000000050e-03, v2;
	_ =	sdelay $0x1  }
0x51: {  	v0 =	vadd.f32 v4, v0;
	v4 =	vadd.f32 v5, v1;
	v1 =	vmul.f32 v2, v1  }
0x52: {  	v2 =	vmax.f32 v3, $0.0e+00  }
0x53: {  	[tilespmem:s26+$0xC00] =	vst v2;
	v2 =	vmax.f32 v4, $0.0e+00;
	v0 =	vadd.f32 v1, v0  }
0x54: {  	[tilespmem:s28+$0xC00] =	vst v2  }
0x55: {  	s31 =	simm.s32 $0x0;
	[tilespmem:$0x1080] =	vst v0  }
0x56: {  	[tilespmem:s16], [sflag:$0x2] =	stream.linear.gather [hbm4b:s12+s31], $0x200, $0x38;
	[tilespmem:$0x1200] =	vst v63  }
0x57: {  	_ =	swait.ge [sflag:s15], $0x200  }
0x58: {  	[sflag:s15] =	ssyncset.done $0x0  }
0x59: {  	s26 =	simm.s32 $0x0;
	[sflag:s15] =	ssyncadd.s32 $0xFFFFFE00  }
0x5a: {  	v0 =	vld [tilespmem:s26+$0x200];
	_ =	sdelay $0x3  }
0x5b: {  	v1 =	vld [tilespmem:s26+$0x800]  }
0x5c: {  	s28 =	simm.s32 $0x10;
	v4 =	vadd.f32 $-3.000000000e+00, v0  }
0x5d: {  	v2 =	vld [tilespmem:s28+$0x200]  }
0x5e: {  	v3 =	vmul.f32 $1.000000050e-03, v4;
	_ =	sdelay $0x1  }
0x5f: {  	v4 =	vmul.f32 v4, v1;
	v3 =	vadd.f32 v3, v1  }
0x60: {  	s29 =	simm.s32 $0x80;
	v0 =	vimm.f32 $0.0e+00;
	v1 =	vld [tilespmem:s28+$0x800]  }
.LBB2_6:
0x61: {  	s30 =	sshra.s32 s29, $0x2;
	p0 =	sne.s32 s29, $0x7C0;
	s29 =	sadd.s32 $0x40, s29;
	v5 =	vadd.f32 $-3.000000000e+00, v2;
	v3 =	vmax.f32 v3, $0.0e+00;
	v0 =	vadd.f32 v4, v0  }
.Ltmp2:
0x62: {  	v2 =	vld [tilespmem:s30+$0x200];
	[tilespmem:s26+$0xE00] =	vst v3;
	s26 =	smov.u32 s28;
	s28 =	smov.u32 s30;
	(pc) =	sbr.rel @p0 .LBB2_6-.Ltmp2, $3  }
0x63: {  	v3 =	vmul.f32 $1.000000050e-03, v5;
	_ =	sdelay $0x1  }
0x64: {  	v3 =	vadd.f32 v3, v1;
	v4 =	vmul.f32 v5, v1  }
0x65: {  	v1 =	vld [tilespmem:s28+$0x800]  }
0x66: {  	v2 =	vadd.f32 $-3.000000000e+00, v2;
	_ =	sdelay $0x1  }
0x67: {  	v5 =	vmul.f32 $1.000000050e-03, v2;
	_ =	sdelay $0x1  }
0x68: {  	v0 =	vadd.f32 v4, v0;
	v60 =	vadd.f32 v5, v1;
	v61 =	vmul.f32 v2, v1  }
0x69: {  	v62 =	vmax.f32 v3, $0.0e+00  }
0x6a: {  	[tilespmem:s26+$0xE00] =	vst v62;
	v63 =	vmax.f32 v60, $0.0e+00;
	v0 =	vadd.f32 v61, v0  }
0x6b: {  	[tilespmem:s28+$0xE00] =	vst v63  }
0x6c: {  	[tilespmem:$0x1100] =	vst v0  }
0x6d: {  	[hbm4b:s4+s16] =	stream.indirect.scatter [tilespmem:s21], [sflag:$0x1], $0x1, s8, s16, $0xb8;
	[tilespmem:$0x1200] =	vst v63  }
0x6e: {  	_ = 	snop  }
0x6f: {  	[hbm4b:s5+s16] =	stream.indirect.scatter [tilespmem:s22], [sflag:$0x1], $0x1, s8, s16, $0xb8;
	[tilespmem:$0x1200] =	vst v63  }
0x70: {  	_ = 	snop  }
0x71: {  	[hbm4b:s7+s16] =	stream.indirect.scatter [tilespmem:s23], [sflag:$0x1], $0x1, s8, s16, $0xb8;
	[tilespmem:$0x1200] =	vst v63  }
0x72: {  	_ =	swait.ge [sflag:s20], $0x200  }
0x73: {  	[sflag:s20] =	ssyncset.done $0x0  }
0x74: {  	[sflag:s20] =	ssyncadd.s32 $0xFFFFFE00  }
0x75: {  	_ =	swait.ge [sflag:s20], $0x200  }
0x76: {  	[sflag:s20] =	ssyncset.done $0x0  }
0x77: {  	[sflag:s20] =	ssyncadd.s32 $0xFFFFFE00  }
0x78: {  	s25 =	sadd.s32 $0x1, s25;
	_ =	swait.ge [sflag:s20], $0x200  }
0x79: {  	p0 =	sne.s32 s25, s14;
	[sflag:s20] =	ssyncset.done $0x0  }
.Ltmp3:
0x7a: {  	[sflag:s20] =	ssyncadd.s32 $0xFFFFFE00;
	(pc) =	sbr.rel @p0 .LBB2_1-.Ltmp3, $4  }
0x7b: {  	[hbm4b:s13+s8] =	stream.linear.scatter [tilespmem:s24], [sflag:$0x2], $0x180, $0x38;
	[tilespmem:$0x1200] =	vst v63  }
0x7c: {  	_ =	swait.ge [sflag:s15], $0x180  }
0x7d: {  	[sflag:s15] =	ssyncset.done $0x0  }
0x7e: {  	[sflag:s15] =	ssyncadd.s32 $0xFFFFFE80  }
0x7f: {  	_ =	sfence.sel $0x180000  }
0x80: {  	[bflag:$0x0] =	sbarrier.arrive $0xFFFF  }
0x81: {  	p0 =	sne.s32 s6, $0x0;
	_ =	strace $0x90000047  }
0x82: {  	s0 =	sadd.s32 @!p0 $0x100000, s2;
	[bflag:$0x2] =	sbarrier.arrive $0xFFFF  }
0x83: {  	[sflag:s0] =	ssyncadd.tile.s32 @!p0 $0x1;
	_ =	shalt  }
.Lfunc_end2:
_tile_overlayer_lowered:
.L_overlay_start_2:
0x84: {  	(tag) =	ssettag $0x2  }
0x85: {  	s0 =	rddreg [dreg:$0x0];
	s2 =	stileid.u32  }
0x86: {  	s1 =	rddreg [dreg:$0x1];
	p0 =	sne.s32 s2, $0x0  }
0x87: {  	s3 =	rddreg [dreg:$0x2];
	[bflag:$0x3] =	sbarrier.arrive $0xFFFF;
	s2 =	simm.s32 @!p0 $0x1C02  }
0x88: {  	[timem:s3], [sflag:s2] =	dma.local @!p0 [hbm:s0], s1  }
0x89: {  	s0 =	simm.s32 @!p0 $0x2  }
0x8a: {  	_ =	swait.ge @!p0 [sflag:s0], s1  }
0x8b: {  	s1 =	ssub.s32 @!p0 $0x0, s1;
	[sflag:s0] =	ssyncset.done @!p0 $0x0  }
0x8c: {  	[sflag:s0] =	ssyncadd.s32 @!p0 s1  }
0x8d: {  	[bflag:$0x3] =	sbarrier.arrive $0xFFFF  }
0x8e: {  	_ =	shalt  }

</sc_bundles>
